<compile_context>
chip_gen: v7x
topology: tpu7x:2x2x1
jax: 0.10.2.dev20260603
libtpu: 0.0.44.dev20260713+nightly
codegen_flags: <defaults>
</compile_context>

<pallas_src>
import functools
import itertools

import jax
import jax.numpy as jnp
import numpy as np
from jax import lax
from jax.experimental import pallas as pl
from jax.experimental.pallas import tpu as pltpu
from jax.experimental.pallas import tpu_sc as plsc

_N = 6
_NPERM = 720
_B = 128
_D = 64
_ROWS2 = _B * _NPERM * _N // 2

_NC = 2
_NS = 16
_NW = _NC * _NS
_RPW = _ROWS2 // _NW
_CH = 720
_NCH = _RPW // _CH


def _signs_const():
    perms = np.array(list(itertools.permutations(range(_N))), dtype=np.int32)
    signs = np.empty((_NPERM,), dtype=np.float32)
    for k, p in enumerate(perms):
        visited = [False] * _N
        s = 1.0
        for i in range(_N):
            if not visited[i]:
                j = i
                clen = 0
                while not visited[j]:
                    visited[j] = True
                    j = p[j]
                    clen += 1
                if clen % 2 == 0:
                    s = -s
        signs[k] = s
    return signs


_SIGNS_NP = _signs_const()

_mesh = plsc.VectorSubcoreMesh(core_axis_name="c", subcore_axis_name="s")


@functools.partial(
    pl.kernel,
    mesh=_mesh,
    out_type=jax.ShapeDtypeStruct((_ROWS2, 128), jnp.float32),
    scratch_types=[
        pltpu.VMEM((_CH, 128), jnp.float32),
        [pltpu.SemaphoreType.DMA for _ in range(_NCH)],
    ],
)
def _probe_write(table_hbm, out_hbm, buf, wsems):
    wid = lax.axis_index("s") * _NC + lax.axis_index("c")
    base = wid * _RPW

    for c in range(_NCH):
        pltpu.async_copy(buf, out_hbm.at[pl.ds(base + c * _CH, _CH)], wsems[c])
    for c in range(_NCH):
        pltpu.make_async_copy(
            buf, out_hbm.at[pl.ds(base + c * _CH, _CH)], wsems[c]
        ).wait()


def kernel(x):
    table = x.reshape(_B * _N, _D)
    out = _probe_write(table)
    return out.reshape(_B, _NPERM, _N, _D), jnp.asarray(_SIGNS_NP)

# --- scband reference (transcript-rebuilt; emitter-appended) ---
"""Pipeline reference for scband-parallel-permutations-36532991819878 (READ-ONLY COPY).

The authoritative reference and input builder live on the scoring server;
editing this copy changes nothing except your own understanding.
"""

import itertools
import jax, jax.numpy as jnp
import numpy as np

N = 6


def _perms_and_signs(n):
    """All permutations of range(n) in lexicographic order, plus their signs."""
    perms = list(itertools.permutations(range(n)))
    signs = []
    for p in perms:
        visited = [False] * n
        s = 1
        for i in range(n):
            if not visited[i]:
                j = i
                clen = 0
                while not visited[j]:
                    visited[j] = True
                    j = p[j]
                    clen += 1
                if clen % 2 == 0:
                    s = -s
        signs.append(s)
    return np.array(perms, dtype=np.int32), np.array(signs, dtype=np.float32)


def setup_inputs(seed: int = 0) -> dict:
    key = jax.random.key(seed)
    x = jax.random.normal(key, (128, N, 64), dtype=jnp.float32)
    return {"x": x}


def reference(x):
    # Faithful translation of ParallelPermutations.__call__:
    # permutation list and lexicographic signs are constants of the graph.
    perms_np, signs_np = _perms_and_signs(N)
    perms = jnp.asarray(perms_np)  # [n!, n] int32
    signs = jnp.asarray(signs_np)  # [n!] float32
    # jnp.take with a 2D index array on axis=-2 replaces that axis with the
    # index shape: (..., n, d) -> (..., n!, n, d)
    out = jnp.take(x, perms, axis=-2)
    return (out, signs)

if __name__ == "__main__":
    import jax
    _d = setup_inputs()
    print(jax.jit(kernel)(*tuple(_d.values())))

</pallas_src>

<mosaic_0001>
#map = affine_map<(d0, d1) -> (0, 0)>
module attributes {stable_mosaic.version = 14 : i64} {
  func.func @_probe_write(%arg0: i32, %arg1: i32, %arg2: memref<768x64xf32, #tpu.memory_space<hbm>>, %arg3: memref<276480x128xf32, #tpu.memory_space<hbm>>, %arg4: memref<720x128xf32, #tpu.memory_space<vmem>>, %arg5: memref<!tpu.dma_semaphore, #tpu.memory_space<semaphore_mem>>, %arg6: memref<!tpu.dma_semaphore, #tpu.memory_space<semaphore_mem>>, %arg7: memref<!tpu.dma_semaphore, #tpu.memory_space<semaphore_mem>>, %arg8: memref<!tpu.dma_semaphore, #tpu.memory_space<semaphore_mem>>, %arg9: memref<!tpu.dma_semaphore, #tpu.memory_space<semaphore_mem>>, %arg10: memref<!tpu.dma_semaphore, #tpu.memory_space<semaphore_mem>>, %arg11: memref<!tpu.dma_semaphore, #tpu.memory_space<semaphore_mem>>, %arg12: memref<!tpu.dma_semaphore, #tpu.memory_space<semaphore_mem>>, %arg13: memref<!tpu.dma_semaphore, #tpu.memory_space<semaphore_mem>>, %arg14: memref<!tpu.dma_semaphore, #tpu.memory_space<semaphore_mem>>, %arg15: memref<!tpu.dma_semaphore, #tpu.memory_space<semaphore_mem>>, %arg16: memref<!tpu.dma_semaphore, #tpu.memory_space<semaphore_mem>>) attributes {dimension_semantics = [#tpu.dimension_semantics<core_parallel>, #tpu.dimension_semantics<subcore_parallel>], iteration_bounds = array<i64: 2, 16>, scalar_prefetch = 0 : i64, scratch_operands = 13 : i64, tpu.core_type = #tpu.core_type<sc_vector_subcore>, window_params = [{transform_indices = #map}, {transform_indices = #map}]} {
    %mul3A = arith.constant 2 : i32
    %mul3A_0 = arith.muli %arg1, %mul3A : i32
    %add3A = arith.addi %mul3A_0, %arg0 : i32
    %mul3A_1 = arith.constant 8640 : i32
    %mul3A_2 = arith.muli %add3A, %mul3A_1 : i32
    %add3A_3 = arith.constant 0 : i32
    %add3A_4 = arith.addi %mul3A_2, %add3A_3 : i32
    %dma_start3A = arith.constant 0 : i32
    %dma_start3A_5 = tpu.memref_slice %arg3[%add3A_4, %dma_start3A] : memref<276480x128xf32, #tpu.memory_space<hbm>> -> memref<720x128xf32, #tpu.memory_space<hbm>>
    %dma_start3A_6 = arith.constant 0 : i32
    %dma_start3A_7 = tpu.memref_slice %arg3[%add3A_4, %dma_start3A_6] : memref<276480x128xf32, #tpu.memory_space<hbm>> -> memref<720x128xf32, #tpu.memory_space<hbm>>
    tpu.enqueue_dma source(%arg4 : memref<720x128xf32, #tpu.memory_space<vmem>>) target(%dma_start3A_7 : memref<720x128xf32, #tpu.memory_space<hbm>>) target_semaphore(%arg5 : memref<!tpu.dma_semaphore, #tpu.memory_space<semaphore_mem>>)
    %add3A_8 = arith.constant 720 : i32
    %add3A_9 = arith.addi %mul3A_2, %add3A_8 : i32
    %dma_start3A_10 = arith.constant 0 : i32
    %dma_start3A_11 = tpu.memref_slice %arg3[%add3A_9, %dma_start3A_10] : memref<276480x128xf32, #tpu.memory_space<hbm>> -> memref<720x128xf32, #tpu.memory_space<hbm>>
    %dma_start3A_12 = arith.constant 0 : i32
    %dma_start3A_13 = tpu.memref_slice %arg3[%add3A_9, %dma_start3A_12] : memref<276480x128xf32, #tpu.memory_space<hbm>> -> memref<720x128xf32, #tpu.memory_space<hbm>>
    tpu.enqueue_dma source(%arg4 : memref<720x128xf32, #tpu.memory_space<vmem>>) target(%dma_start3A_13 : memref<720x128xf32, #tpu.memory_space<hbm>>) target_semaphore(%arg6 : memref<!tpu.dma_semaphore, #tpu.memory_space<semaphore_mem>>)
    %add3A_14 = arith.constant 1440 : i32
    %add3A_15 = arith.addi %mul3A_2, %add3A_14 : i32
    %dma_start3A_16 = arith.constant 0 : i32
    %dma_start3A_17 = tpu.memref_slice %arg3[%add3A_15, %dma_start3A_16] : memref<276480x128xf32, #tpu.memory_space<hbm>> -> memref<720x128xf32, #tpu.memory_space<hbm>>
    %dma_start3A_18 = arith.constant 0 : i32
    %dma_start3A_19 = tpu.memref_slice %arg3[%add3A_15, %dma_start3A_18] : memref<276480x128xf32, #tpu.memory_space<hbm>> -> memref<720x128xf32, #tpu.memory_space<hbm>>
    tpu.enqueue_dma source(%arg4 : memref<720x128xf32, #tpu.memory_space<vmem>>) target(%dma_start3A_19 : memref<720x128xf32, #tpu.memory_space<hbm>>) target_semaphore(%arg7 : memref<!tpu.dma_semaphore, #tpu.memory_space<semaphore_mem>>)
    %add3A_20 = arith.constant 2160 : i32
    %add3A_21 = arith.addi %mul3A_2, %add3A_20 : i32
    %dma_start3A_22 = arith.constant 0 : i32
    %dma_start3A_23 = tpu.memref_slice %arg3[%add3A_21, %dma_start3A_22] : memref<276480x128xf32, #tpu.memory_space<hbm>> -> memref<720x128xf32, #tpu.memory_space<hbm>>
    %dma_start3A_24 = arith.constant 0 : i32
    %dma_start3A_25 = tpu.memref_slice %arg3[%add3A_21, %dma_start3A_24] : memref<276480x128xf32, #tpu.memory_space<hbm>> -> memref<720x128xf32, #tpu.memory_space<hbm>>
    tpu.enqueue_dma source(%arg4 : memref<720x128xf32, #tpu.memory_space<vmem>>) target(%dma_start3A_25 : memref<720x128xf32, #tpu.memory_space<hbm>>) target_semaphore(%arg8 : memref<!tpu.dma_semaphore, #tpu.memory_space<semaphore_mem>>)
    %add3A_26 = arith.constant 2880 : i32
    %add3A_27 = arith.addi %mul3A_2, %add3A_26 : i32
    %dma_start3A_28 = arith.constant 0 : i32
    %dma_start3A_29 = tpu.memref_slice %arg3[%add3A_27, %dma_start3A_28] : memref<276480x128xf32, #tpu.memory_space<hbm>> -> memref<720x128xf32, #tpu.memory_space<hbm>>
    %dma_start3A_30 = arith.constant 0 : i32
    %dma_start3A_31 = tpu.memref_slice %arg3[%add3A_27, %dma_start3A_30] : memref<276480x128xf32, #tpu.memory_space<hbm>> -> memref<720x128xf32, #tpu.memory_space<hbm>>
    tpu.enqueue_dma source(%arg4 : memref<720x128xf32, #tpu.memory_space<vmem>>) target(%dma_start3A_31 : memref<720x128xf32, #tpu.memory_space<hbm>>) target_semaphore(%arg9 : memref<!tpu.dma_semaphore, #tpu.memory_space<semaphore_mem>>)
    %add3A_32 = arith.constant 3600 : i32
    %add3A_33 = arith.addi %mul3A_2, %add3A_32 : i32
    %dma_start3A_34 = arith.constant 0 : i32
    %dma_start3A_35 = tpu.memref_slice %arg3[%add3A_33, %dma_start3A_34] : memref<276480x128xf32, #tpu.memory_space<hbm>> -> memref<720x128xf32, #tpu.memory_space<hbm>>
    %dma_start3A_36 = arith.constant 0 : i32
    %dma_start3A_37 = tpu.memref_slice %arg3[%add3A_33, %dma_start3A_36] : memref<276480x128xf32, #tpu.memory_space<hbm>> -> memref<720x128xf32, #tpu.memory_space<hbm>>
    tpu.enqueue_dma source(%arg4 : memref<720x128xf32, #tpu.memory_space<vmem>>) target(%dma_start3A_37 : memref<720x128xf32, #tpu.memory_space<hbm>>) target_semaphore(%arg10 : memref<!tpu.dma_semaphore, #tpu.memory_space<semaphore_mem>>)
    %add3A_38 = arith.constant 4320 : i32
    %add3A_39 = arith.addi %mul3A_2, %add3A_38 : i32
    %dma_start3A_40 = arith.constant 0 : i32
    %dma_start3A_41 = tpu.memref_slice %arg3[%add3A_39, %dma_start3A_40] : memref<276480x128xf32, #tpu.memory_space<hbm>> -> memref<720x128xf32, #tpu.memory_space<hbm>>
    %dma_start3A_42 = arith.constant 0 : i32
    %dma_start3A_43 = tpu.memref_slice %arg3[%add3A_39, %dma_start3A_42] : memref<276480x128xf32, #tpu.memory_space<hbm>> -> memref<720x128xf32, #tpu.memory_space<hbm>>
    tpu.enqueue_dma source(%arg4 : memref<720x128xf32, #tpu.memory_space<vmem>>) target(%dma_start3A_43 : memref<720x128xf32, #tpu.memory_space<hbm>>) target_semaphore(%arg11 : memref<!tpu.dma_semaphore, #tpu.memory_space<semaphore_mem>>)
    %add3A_44 = arith.constant 5040 : i32
    %add3A_45 = arith.addi %mul3A_2, %add3A_44 : i32
    %dma_start3A_46 = arith.constant 0 : i32
    %dma_start3A_47 = tpu.memref_slice %arg3[%add3A_45, %dma_start3A_46] : memref<276480x128xf32, #tpu.memory_space<hbm>> -> memref<720x128xf32, #tpu.memory_space<hbm>>
    %dma_start3A_48 = arith.constant 0 : i32
    %dma_start3A_49 = tpu.memref_slice %arg3[%add3A_45, %dma_start3A_48] : memref<276480x128xf32, #tpu.memory_space<hbm>> -> memref<720x128xf32, #tpu.memory_space<hbm>>
    tpu.enqueue_dma source(%arg4 : memref<720x128xf32, #tpu.memory_space<vmem>>) target(%dma_start3A_49 : memref<720x128xf32, #tpu.memory_space<hbm>>) target_semaphore(%arg12 : memref<!tpu.dma_semaphore, #tpu.memory_space<semaphore_mem>>)
    %add3A_50 = arith.constant 5760 : i32
    %add3A_51 = arith.addi %mul3A_2, %add3A_50 : i32
    %dma_start3A_52 = arith.constant 0 : i32
    %dma_start3A_53 = tpu.memref_slice %arg3[%add3A_51, %dma_start3A_52] : memref<276480x128xf32, #tpu.memory_space<hbm>> -> memref<720x128xf32, #tpu.memory_space<hbm>>
    %dma_start3A_54 = arith.constant 0 : i32
    %dma_start3A_55 = tpu.memref_slice %arg3[%add3A_51, %dma_start3A_54] : memref<276480x128xf32, #tpu.memory_space<hbm>> -> memref<720x128xf32, #tpu.memory_space<hbm>>
    tpu.enqueue_dma source(%arg4 : memref<720x128xf32, #tpu.memory_space<vmem>>) target(%dma_start3A_55 : memref<720x128xf32, #tpu.memory_space<hbm>>) target_semaphore(%arg13 : memref<!tpu.dma_semaphore, #tpu.memory_space<semaphore_mem>>)
    %add3A_56 = arith.constant 6480 : i32
    %add3A_57 = arith.addi %mul3A_2, %add3A_56 : i32
    %dma_start3A_58 = arith.constant 0 : i32
    %dma_start3A_59 = tpu.memref_slice %arg3[%add3A_57, %dma_start3A_58] : memref<276480x128xf32, #tpu.memory_space<hbm>> -> memref<720x128xf32, #tpu.memory_space<hbm>>
    %dma_start3A_60 = arith.constant 0 : i32
    %dma_start3A_61 = tpu.memref_slice %arg3[%add3A_57, %dma_start3A_60] : memref<276480x128xf32, #tpu.memory_space<hbm>> -> memref<720x128xf32, #tpu.memory_space<hbm>>
    tpu.enqueue_dma source(%arg4 : memref<720x128xf32, #tpu.memory_space<vmem>>) target(%dma_start3A_61 : memref<720x128xf32, #tpu.memory_space<hbm>>) target_semaphore(%arg14 : memref<!tpu.dma_semaphore, #tpu.memory_space<semaphore_mem>>)
    %add3A_62 = arith.constant 7200 : i32
    %add3A_63 = arith.addi %mul3A_2, %add3A_62 : i32
    %dma_start3A_64 = arith.constant 0 : i32
    %dma_start3A_65 = tpu.memref_slice %arg3[%add3A_63, %dma_start3A_64] : memref<276480x128xf32, #tpu.memory_space<hbm>> -> memref<720x128xf32, #tpu.memory_space<hbm>>
    %dma_start3A_66 = arith.constant 0 : i32
    %dma_start3A_67 = tpu.memref_slice %arg3[%add3A_63, %dma_start3A_66] : memref<276480x128xf32, #tpu.memory_space<hbm>> -> memref<720x128xf32, #tpu.memory_space<hbm>>
    tpu.enqueue_dma source(%arg4 : memref<720x128xf32, #tpu.memory_space<vmem>>) target(%dma_start3A_67 : memref<720x128xf32, #tpu.memory_space<hbm>>) target_semaphore(%arg15 : memref<!tpu.dma_semaphore, #tpu.memory_space<semaphore_mem>>)
    %add3A_68 = arith.constant 7920 : i32
    %add3A_69 = arith.addi %mul3A_2, %add3A_68 : i32
    %dma_start3A_70 = arith.constant 0 : i32
    %dma_start3A_71 = tpu.memref_slice %arg3[%add3A_69, %dma_start3A_70] : memref<276480x128xf32, #tpu.memory_space<hbm>> -> memref<720x128xf32, #tpu.memory_space<hbm>>
    %dma_start3A_72 = arith.constant 0 : i32
    %dma_start3A_73 = tpu.memref_slice %arg3[%add3A_69, %dma_start3A_72] : memref<276480x128xf32, #tpu.memory_space<hbm>> -> memref<720x128xf32, #tpu.memory_space<hbm>>
    tpu.enqueue_dma source(%arg4 : memref<720x128xf32, #tpu.memory_space<vmem>>) target(%dma_start3A_73 : memref<720x128xf32, #tpu.memory_space<hbm>>) target_semaphore(%arg16 : memref<!tpu.dma_semaphore, #tpu.memory_space<semaphore_mem>>)
    %add3A_74 = arith.constant 0 : i32
    %add3A_75 = arith.addi %mul3A_2, %add3A_74 : i32
    %dma_wait3A = arith.constant 0 : i32
    %dma_wait3A_76 = tpu.memref_slice %arg3[%add3A_75, %dma_wait3A] : memref<276480x128xf32, #tpu.memory_space<hbm>> -> memref<720x128xf32, #tpu.memory_space<hbm>>
    %dma_wait3A_77 = arith.constant 0 : i32
    %dma_wait3A_78 = tpu.memref_slice %arg3[%add3A_75, %dma_wait3A_77] : memref<276480x128xf32, #tpu.memory_space<hbm>> -> memref<720x128xf32, #tpu.memory_space<hbm>>
    tpu.wait_dma2 semaphore(%arg5 : memref<!tpu.dma_semaphore, #tpu.memory_space<semaphore_mem>>) src(%arg4 : memref<720x128xf32, #tpu.memory_space<vmem>>) dst(%dma_wait3A_78 : memref<720x128xf32, #tpu.memory_space<hbm>>)
    %add3A_79 = arith.constant 720 : i32
    %add3A_80 = arith.addi %mul3A_2, %add3A_79 : i32
    %dma_wait3A_81 = arith.constant 0 : i32
    %dma_wait3A_82 = tpu.memref_slice %arg3[%add3A_80, %dma_wait3A_81] : memref<276480x128xf32, #tpu.memory_space<hbm>> -> memref<720x128xf32, #tpu.memory_space<hbm>>
    %dma_wait3A_83 = arith.constant 0 : i32
    %dma_wait3A_84 = tpu.memref_slice %arg3[%add3A_80, %dma_wait3A_83] : memref<276480x128xf32, #tpu.memory_space<hbm>> -> memref<720x128xf32, #tpu.memory_space<hbm>>
    tpu.wait_dma2 semaphore(%arg6 : memref<!tpu.dma_semaphore, #tpu.memory_space<semaphore_mem>>) src(%arg4 : memref<720x128xf32, #tpu.memory_space<vmem>>) dst(%dma_wait3A_84 : memref<720x128xf32, #tpu.memory_space<hbm>>)
    %add3A_85 = arith.constant 1440 : i32
    %add3A_86 = arith.addi %mul3A_2, %add3A_85 : i32
    %dma_wait3A_87 = arith.constant 0 : i32
    %dma_wait3A_88 = tpu.memref_slice %arg3[%add3A_86, %dma_wait3A_87] : memref<276480x128xf32, #tpu.memory_space<hbm>> -> memref<720x128xf32, #tpu.memory_space<hbm>>
    %dma_wait3A_89 = arith.constant 0 : i32
    %dma_wait3A_90 = tpu.memref_slice %arg3[%add3A_86, %dma_wait3A_89] : memref<276480x128xf32, #tpu.memory_space<hbm>> -> memref<720x128xf32, #tpu.memory_space<hbm>>
    tpu.wait_dma2 semaphore(%arg7 : memref<!tpu.dma_semaphore, #tpu.memory_space<semaphore_mem>>) src(%arg4 : memref<720x128xf32, #tpu.memory_space<vmem>>) dst(%dma_wait3A_90 : memref<720x128xf32, #tpu.memory_space<hbm>>)
    %add3A_91 = arith.constant 2160 : i32
    %add3A_92 = arith.addi %mul3A_2, %add3A_91 : i32
    %dma_wait3A_93 = arith.constant 0 : i32
    %dma_wait3A_94 = tpu.memref_slice %arg3[%add3A_92, %dma_wait3A_93] : memref<276480x128xf32, #tpu.memory_space<hbm>> -> memref<720x128xf32, #tpu.memory_space<hbm>>
    %dma_wait3A_95 = arith.constant 0 : i32
    %dma_wait3A_96 = tpu.memref_slice %arg3[%add3A_92, %dma_wait3A_95] : memref<276480x128xf32, #tpu.memory_space<hbm>> -> memref<720x128xf32, #tpu.memory_space<hbm>>
    tpu.wait_dma2 semaphore(%arg8 : memref<!tpu.dma_semaphore, #tpu.memory_space<semaphore_mem>>) src(%arg4 : memref<720x128xf32, #tpu.memory_space<vmem>>) dst(%dma_wait3A_96 : memref<720x128xf32, #tpu.memory_space<hbm>>)
    %add3A_97 = arith.constant 2880 : i32
    %add3A_98 = arith.addi %mul3A_2, %add3A_97 : i32
    %dma_wait3A_99 = arith.constant 0 : i32
    %dma_wait3A_100 = tpu.memref_slice %arg3[%add3A_98, %dma_wait3A_99] : memref<276480x128xf32, #tpu.memory_space<hbm>> -> memref<720x128xf32, #tpu.memory_space<hbm>>
    %dma_wait3A_101 = arith.constant 0 : i32
    %dma_wait3A_102 = tpu.memref_slice %arg3[%add3A_98, %dma_wait3A_101] : memref<276480x128xf32, #tpu.memory_space<hbm>> -> memref<720x128xf32, #tpu.memory_space<hbm>>
    tpu.wait_dma2 semaphore(%arg9 : memref<!tpu.dma_semaphore, #tpu.memory_space<semaphore_mem>>) src(%arg4 : memref<720x128xf32, #tpu.memory_space<vmem>>) dst(%dma_wait3A_102 : memref<720x128xf32, #tpu.memory_space<hbm>>)
    %add3A_103 = arith.constant 3600 : i32
    %add3A_104 = arith.addi %mul3A_2, %add3A_103 : i32
    %dma_wait3A_105 = arith.constant 0 : i32
    %dma_wait3A_106 = tpu.memref_slice %arg3[%add3A_104, %dma_wait3A_105] : memref<276480x128xf32, #tpu.memory_space<hbm>> -> memref<720x128xf32, #tpu.memory_space<hbm>>
    %dma_wait3A_107 = arith.constant 0 : i32
    %dma_wait3A_108 = tpu.memref_slice %arg3[%add3A_104, %dma_wait3A_107] : memref<276480x128xf32, #tpu.memory_space<hbm>> -> memref<720x128xf32, #tpu.memory_space<hbm>>
    tpu.wait_dma2 semaphore(%arg10 : memref<!tpu.dma_semaphore, #tpu.memory_space<semaphore_mem>>) src(%arg4 : memref<720x128xf32, #tpu.memory_space<vmem>>) dst(%dma_wait3A_108 : memref<720x128xf32, #tpu.memory_space<hbm>>)
    %add3A_109 = arith.constant 4320 : i32
    %add3A_110 = arith.addi %mul3A_2, %add3A_109 : i32
    %dma_wait3A_111 = arith.constant 0 : i32
    %dma_wait3A_112 = tpu.memref_slice %arg3[%add3A_110, %dma_wait3A_111] : memref<276480x128xf32, #tpu.memory_space<hbm>> -> memref<720x128xf32, #tpu.memory_space<hbm>>
    %dma_wait3A_113 = arith.constant 0 : i32
    %dma_wait3A_114 = tpu.memref_slice %arg3[%add3A_110, %dma_wait3A_113] : memref<276480x128xf32, #tpu.memory_space<hbm>> -> memref<720x128xf32, #tpu.memory_space<hbm>>
    tpu.wait_dma2 semaphore(%arg11 : memref<!tpu.dma_semaphore, #tpu.memory_space<semaphore_mem>>) src(%arg4 : memref<720x128xf32, #tpu.memory_space<vmem>>) dst(%dma_wait3A_114 : memref<720x128xf32, #tpu.memory_space<hbm>>)
    %add3A_115 = arith.constant 5040 : i32
    %add3A_116 = arith.addi %mul3A_2, %add3A_115 : i32
    %dma_wait3A_117 = arith.constant 0 : i32
    %dma_wait3A_118 = tpu.memref_slice %arg3[%add3A_116, %dma_wait3A_117] : memref<276480x128xf32, #tpu.memory_space<hbm>> -> memref<720x128xf32, #tpu.memory_space<hbm>>
    %dma_wait3A_119 = arith.constant 0 : i32
    %dma_wait3A_120 = tpu.memref_slice %arg3[%add3A_116, %dma_wait3A_119] : memref<276480x128xf32, #tpu.memory_space<hbm>> -> memref<720x128xf32, #tpu.memory_space<hbm>>
    tpu.wait_dma2 semaphore(%arg12 : memref<!tpu.dma_semaphore, #tpu.memory_space<semaphore_mem>>) src(%arg4 : memref<720x128xf32, #tpu.memory_space<vmem>>) dst(%dma_wait3A_120 : memref<720x128xf32, #tpu.memory_space<hbm>>)
    %add3A_121 = arith.constant 5760 : i32
    %add3A_122 = arith.addi %mul3A_2, %add3A_121 : i32
    %dma_wait3A_123 = arith.constant 0 : i32
    %dma_wait3A_124 = tpu.memref_slice %arg3[%add3A_122, %dma_wait3A_123] : memref<276480x128xf32, #tpu.memory_space<hbm>> -> memref<720x128xf32, #tpu.memory_space<hbm>>
    %dma_wait3A_125 = arith.constant 0 : i32
    %dma_wait3A_126 = tpu.memref_slice %arg3[%add3A_122, %dma_wait3A_125] : memref<276480x128xf32, #tpu.memory_space<hbm>> -> memref<720x128xf32, #tpu.memory_space<hbm>>
    tpu.wait_dma2 semaphore(%arg13 : memref<!tpu.dma_semaphore, #tpu.memory_space<semaphore_mem>>) src(%arg4 : memref<720x128xf32, #tpu.memory_space<vmem>>) dst(%dma_wait3A_126 : memref<720x128xf32, #tpu.memory_space<hbm>>)
    %add3A_127 = arith.constant 6480 : i32
    %add3A_128 = arith.addi %mul3A_2, %add3A_127 : i32
    %dma_wait3A_129 = arith.constant 0 : i32
    %dma_wait3A_130 = tpu.memref_slice %arg3[%add3A_128, %dma_wait3A_129] : memref<276480x128xf32, #tpu.memory_space<hbm>> -> memref<720x128xf32, #tpu.memory_space<hbm>>
    %dma_wait3A_131 = arith.constant 0 : i32
    %dma_wait3A_132 = tpu.memref_slice %arg3[%add3A_128, %dma_wait3A_131] : memref<276480x128xf32, #tpu.memory_space<hbm>> -> memref<720x128xf32, #tpu.memory_space<hbm>>
    tpu.wait_dma2 semaphore(%arg14 : memref<!tpu.dma_semaphore, #tpu.memory_space<semaphore_mem>>) src(%arg4 : memref<720x128xf32, #tpu.memory_space<vmem>>) dst(%dma_wait3A_132 : memref<720x128xf32, #tpu.memory_space<hbm>>)
    %add3A_133 = arith.constant 7200 : i32
    %add3A_134 = arith.addi %mul3A_2, %add3A_133 : i32
    %dma_wait3A_135 = arith.constant 0 : i32
    %dma_wait3A_136 = tpu.memref_slice %arg3[%add3A_134, %dma_wait3A_135] : memref<276480x128xf32, #tpu.memory_space<hbm>> -> memref<720x128xf32, #tpu.memory_space<hbm>>
    %dma_wait3A_137 = arith.constant 0 : i32
    %dma_wait3A_138 = tpu.memref_slice %arg3[%add3A_134, %dma_wait3A_137] : memref<276480x128xf32, #tpu.memory_space<hbm>> -> memref<720x128xf32, #tpu.memory_space<hbm>>
    tpu.wait_dma2 semaphore(%arg15 : memref<!tpu.dma_semaphore, #tpu.memory_space<semaphore_mem>>) src(%arg4 : memref<720x128xf32, #tpu.memory_space<vmem>>) dst(%dma_wait3A_138 : memref<720x128xf32, #tpu.memory_space<hbm>>)
    %add3A_139 = arith.constant 7920 : i32
    %add3A_140 = arith.addi %mul3A_2, %add3A_139 : i32
    %dma_wait3A_141 = arith.constant 0 : i32
    %dma_wait3A_142 = tpu.memref_slice %arg3[%add3A_140, %dma_wait3A_141] : memref<276480x128xf32, #tpu.memory_space<hbm>> -> memref<720x128xf32, #tpu.memory_space<hbm>>
    %dma_wait3A_143 = arith.constant 0 : i32
    %dma_wait3A_144 = tpu.memref_slice %arg3[%add3A_140, %dma_wait3A_143] : memref<276480x128xf32, #tpu.memory_space<hbm>> -> memref<720x128xf32, #tpu.memory_space<hbm>>
    tpu.wait_dma2 semaphore(%arg16 : memref<!tpu.dma_semaphore, #tpu.memory_space<semaphore_mem>>) src(%arg4 : memref<720x128xf32, #tpu.memory_space<vmem>>) dst(%dma_wait3A_144 : memref<720x128xf32, #tpu.memory_space<hbm>>)
    return
  }
}

</mosaic_0001>

<sc_bundles>
// kernel: kernel.3.cloned.1.call-start
scs
__scs_entry_jumppad:
0x0: {  	(pc) =	sbr.rel $0x88, $3  }
0x1: {  	(tag) =	ssettag $0x0;
	lr =	simm.s32 $0x1  }
0x2: {  	[smem:$0x3FA0] =	sst lr;
	_ =	strace $0xD0000000  }
0x3: {  	_ = 	snop  }
0x4: {  	_ = 	snop  }
0x5: {  	_ = 	snop  }
0x6: {  	_ = 	snop  }
0x7: {  	_ = 	snop  }
__scs_overlays_trampoline_lowered:
0x8: {  	[smem:$0x3FAF] =	sst s0  }
0x9: {  	[smem:$0x3FB0] =	sst s1  }
0xa: {  	[smem:$0x3FB1] =	sst s2  }
0xb: {  	[smem:$0x3FB2] =	sst s3  }
0xc: {  	[smem:$0x3FB3] =	sst s4  }
0xd: {  	[smem:$0x3FB4] =	sst s5  }
0xe: {  	[smem:$0x3FB5] =	sst s6  }
0xf: {  	[smem:$0x3FB6] =	sst s7  }
0x10: {  	[smem:$0x3FB7] =	sst s8  }
0x11: {  	[smem:$0x3FB8] =	sst s9;
	s0 =	simm.s32 @!p0 $0x0  }
0x12: {  	s1 =	sld [smem:$0x3F9E];
	s0 =	simm.s32 @p0 $0x1  }
0x13: {  	[smem:$0x3FB9] =	sst s0;
	s0 =	simm.s32 @!p1 $0x0  }
0x14: {  	s2 =	sld [smem:$0x3F9D];
	s0 =	simm.s32 @p1 $0x1  }
0x15: {  	[smem:$0x3FBA] =	sst s0;
	s0 =	simm.s32 @!p2 $0x0  }
0x16: {  	s3 =	sld [smem:$0x3FDB];
	s0 =	simm.s32 @p2 $0x1  }
0x17: {  	s4 =	simm.s32 $0x1BF5;
	[smem:$0x3FBC] =	sst s0  }
0x18: {  	s0 =	sld [smem:$0x3F9F];
	_ =	swait.ge [sflag:s4], $0x0  }
0x19: {  	s7 =	sld [smem:$0x3FA0]  }
0x1a: {  	s8 =	sadd.s32 $0xFFFFE003, lr  }
0x1b: {  	s9 =	sadd.s32 $0xFFFFFEF7, lr;
	s5 =	simm.s32 $0xFFFFFFFF;
	p2 =	slt.u32 s8, $0xFFFFF086  }
0x1c: {  	p1 =	slt.u32 s9, $0xF7A;
	s5 =	simm.s32 @!p2 $0x0  }
0x1d: {  	s5 =	simm.s32 @p1 $0x1;
	p0 =	seq.s32 s7, s2  }
0x1e: {  	s7 =	smul.u32 @!p0 $0xF7A, s2;
	p2 =	seq.s32 @!p0 s5, $0x0  }
0x1f: {  	s9 =	smul.u32 $0xF7A, s1;
	s8 =	simm.s32 @!p0 $0x1BF5;
	p2 =	por !p2, p0  }
0x20: {  	[sflag:s8] =	ssyncset.s32 @!p0 $0xFFFFF086;
	s6 =	sadd.s32 @!p0 s3, s7;
	s7 =	simm.s32 @!p0 $0x108  }
0x21: {  	s3 =	sadd.s32 s3, s9;
	s6 =	sadd.s32 @!p0 $0x88, s6;
	s7 =	simm.s32 @p2 $0x1082  }
0x22: {  	[simem:s7], [sflag:s8] =	dma.local @!p0 [hbm:s6], $0xF7A  }
0x23: {  	s9 =	sor.u32 $0xD0000000, s2;
	s6 =	simm.s32 $0x108;
	_ =	swait.ge @!p0 [sflag:s8], $0x0  }
0x24: {  	s3 =	sadd.s32 $0x88, s3;
	s6 =	simm.s32 @!p1 $0x1082;
	[sflag:s4] =	ssyncset.s32 $0xFFFFF086  }
0x25: {  	[simem:s6], [sflag:s4] =	dma.local [hbm:s3], $0xF7A  }
0x26: {  	[smem:$0x3FA0] =	sst s1;
	(tag) =	ssettag s2;
	_ =	strace s9  }
0x27: {  	s1 =	sld [smem:$0x3FB0]  }
0x28: {  	s2 =	sld [smem:$0x3FB1]  }
0x29: {  	s4 =	sld [smem:$0x3FB3]  }
0x2a: {  	p0 =	seq.s32 s5, $0x0;
	s5 =	sld [smem:$0x3FB4]  }
0x2b: {  	s6 =	sld [smem:$0x3FB5]  }
0x2c: {  	s7 =	sld [smem:$0x3FB6]  }
0x2d: {  	s3 =	simm.s32 $0x108;
	s8 =	sld [smem:$0x3FB7]  }
0x2e: {  	s3 =	simm.s32 @!p0 $0x1082;
	s9 =	sld [smem:$0x3FB8]  }
0x2f: {  	lr =	sadd.s32 s0, s3;
	s0 =	sld [smem:$0x3FAF]  }
0x30: {  	s3 =	sld [smem:$0x3FB2]  }
0x31: {  	[smem:$0x3FBB] =	sst s10  }
0x32: {  	s10 =	sld [smem:$0x3FB9];
	_ =	sdelay $0x3  }
0x33: {  	p0 =	seq.s32 s10, $0x1;
	s10 =	sld [smem:$0x3FBB];
	_ =	sdelay $0x3  }
0x34: {  	[smem:$0x3FBB] =	sst s10  }
0x35: {  	s10 =	sld [smem:$0x3FBA];
	_ =	sdelay $0x3  }
0x36: {  	p1 =	seq.s32 s10, $0x1;
	s10 =	sld [smem:$0x3FBB];
	_ =	sdelay $0x3  }
0x37: {  	[smem:$0x3FBB] =	sst s10  }
0x38: {  	s10 =	sld [smem:$0x3FBC]  }
0x39: {  	_ = 	snop;
	(pc) =	sbr.ind lr, $3  }
0x3a: {  	_ = 	snop  }
0x3b: {  	_ = 	snop  }
0x3c: {  	p2 =	seq.s32 s10, $0x1;
	s10 =	sld [smem:$0x3FBB]  }
0x3d: {  	_ =	shalt  }
0x3e: {  	_ =	shalt  }
0x3f: {  	_ =	shalt  }
0x40: {  	_ =	shalt  }
0x41: {  	_ =	shalt  }
0x42: {  	_ =	shalt  }
0x43: {  	_ =	shalt  }
0x44: {  	_ =	shalt  }
0x45: {  	_ =	shalt  }
0x46: {  	_ =	shalt  }
0x47: {  	_ =	shalt  }
0x48: {  	_ =	shalt  }
0x49: {  	_ =	shalt  }
0x4a: {  	_ =	shalt  }
0x4b: {  	_ =	shalt  }
0x4c: {  	_ =	shalt  }
0x4d: {  	_ =	shalt  }
0x4e: {  	_ =	shalt  }
0x4f: {  	_ =	shalt  }
0x50: {  	_ =	shalt  }
0x51: {  	_ =	shalt  }
0x52: {  	_ =	shalt  }
0x53: {  	_ =	shalt  }
0x54: {  	_ =	shalt  }
0x55: {  	_ =	shalt  }
0x56: {  	_ =	shalt  }
0x57: {  	_ =	shalt  }
0x58: {  	_ =	shalt  }
0x59: {  	_ =	shalt  }
0x5a: {  	_ =	shalt  }
0x5b: {  	_ =	shalt  }
0x5c: {  	_ =	shalt  }
0x5d: {  	_ =	shalt  }
0x5e: {  	_ =	shalt  }
0x5f: {  	_ =	shalt  }
0x60: {  	_ =	shalt  }
0x61: {  	_ =	shalt  }
0x62: {  	_ =	shalt  }
0x63: {  	_ =	shalt  }
0x64: {  	_ =	shalt  }
0x65: {  	_ =	shalt  }
0x66: {  	_ =	shalt  }
0x67: {  	_ =	shalt  }
0x68: {  	_ =	shalt  }
0x69: {  	_ =	shalt  }
0x6a: {  	_ =	shalt  }
0x6b: {  	_ =	shalt  }
0x6c: {  	_ =	shalt  }
0x6d: {  	_ =	shalt  }
0x6e: {  	_ =	shalt  }
0x6f: {  	_ =	shalt  }
0x70: {  	_ =	shalt  }
0x71: {  	_ =	shalt  }
0x72: {  	_ =	shalt  }
0x73: {  	_ =	shalt  }
0x74: {  	_ =	shalt  }
0x75: {  	_ =	shalt  }
0x76: {  	_ =	shalt  }
0x77: {  	_ =	shalt  }
0x78: {  	_ =	shalt  }
0x79: {  	_ =	shalt  }
0x7a: {  	_ =	shalt  }
0x7b: {  	_ =	shalt  }
0x7c: {  	_ =	shalt  }
0x7d: {  	_ =	shalt  }
0x7e: {  	_ =	shalt  }
0x7f: {  	_ =	shalt  }
0x80: {  	_ =	shalt  }
0x81: {  	_ =	shalt  }
0x82: {  	_ =	shalt  }
0x83: {  	_ =	shalt  }
0x84: {  	_ =	shalt  }
0x85: {  	_ =	shalt  }
0x86: {  	_ =	shalt  }
0x87: {  	_ =	shalt  }
.Lfunc_end0:
.L_simem_size_0:
called_computation.1_lowered:
.L_overlay_start_0:
0x88: {  	s2 =	sld [smem:$0x3FD9]  }
0x89: {  	s3 =	sld [smem:$0x3FFE];
	_ =	sdelay $0x1  }
0x8a: {  	s1 =	srdreg.scid  }
0x8b: {  	s0 =	sand.u32 $0x1, s1  }
0x8c: {  	s15 =	sshll.u32 s0, $0xA;
	s2 =	sadd.s32 s3, s2  }
0x8d: {  	s2 =	sadd.s32 s2, s15  }
0x8e: {  	[smem:$0x3FC7] =	sst s2  }
0x8f: {  	_ = 	snop  }
0x90: {  	s2 =	sld [smem:$0x3FD0];
	_ =	sdelay $0x2  }
0x91: {  	s16 =	simm.s32 $0xA;
	s4 =	simm.s32 $0x10  }
0x92: {  	[smem:s4], [sflag:s16] =	dma.local [hbm:s2], $0x1  }
0x93: {  	_ =	swait.eq [sflag:s16], $0x1  }
0x94: {  	[sflag:s16] =	ssyncset.done $0x0  }
0x95: {  	[sflag:s16] =	ssyncadd.s32 $0xFFFFFFFF  }
0x96: {  	s17 =	sld [smem:$0x10];
	(tm) =	ssettm $0x1  }
0x97: {  	s18 =	sld [smem:$0x3FFB];
	_ =	sdelay $0x3  }
0x98: {  	_ =	strace s18  }
0x99: {  	s3 =	sld [smem:$0x3FFC];
	_ =	sdelay $0x3  }
0x9a: {  	_ =	strace s3  }
0x9b: {  	s3 =	sld [smem:$0x3FFD];
	_ =	sdelay $0x3  }
0x9c: {  	_ =	strace s3  }
0x9d: {  	_ =	strace $0x8FFFFFFF  }
0x9e: {  	s19 =	sld [smem:$0x3FDB];
	_ =	sdelay $0x1  }
0x9f: {  	s20 =	simm.s32 $_scs_section_size  }
0xa0: {  	s5 =	simm.s32 $_size__tile_overlayer_lowered;
	s6 =	simm.s32 $_tile_overlayer_lowered  }
0xa1: {  	s23 =	simm.s32 $0x1BFF;
	s22 =	sshll.u32 s6, $0x1;
	s3 =	sadd.s32 s20, s19  }
0xa2: {  	s7 =	simm.s32 $0x0;
	s21 =	sshll.u32 s5, $0x1;
	s5 =	sadd.s32 s22, s3  }
0xa3: {  	[timem:s7], [sflag:s23] =	dma.local [hbm:s5], s21  }
0xa4: {  	_ =	swait.ge [sflag:s23], s21  }
0xa5: {  	s4 =	ssub.s32 $0x0, s21;
	[sflag:s23] =	ssyncset.done $0x0  }
0xa6: {  	[sflag:s23] =	ssyncadd.s32 s4;
	_ =	sdelay $0x1  }
0xa7: {  	s24 =	simm.s32 $0x1B8B  }
0xa8: {  	_ =	swait.ge [sflag:s24], $0x1  }
0xa9: {  	[sflag:s24] =	ssyncset.done $0x0  }
0xaa: {  	s25 =	simm.s32 $0x1B8E;
	[sflag:s24] =	ssyncadd.s32 $0xFFFFFFFF  }
0xab: {  	s26 =	simm.s32 $execute0_lowered;
	[smem:$0x3FD2] =	sst s25  }
0xac: {  	s4 =	sshll.u32 s26, $0x1;
	_ =	strace $0x80000046;
	[dreg:$0x1] =	wrdreg $0xFFFFFFFF  }
0xad: {  	s28 =	simm.s32 $_size_execute0_lowered;
	s3 =	sadd.s32 s3, s4;
	[dreg:$0x0] =	wrdreg $0x0  }
0xae: {  	s4 =	sshll.u32 s28, $0x1;
	[dreg:$0x2] =	wrdreg s3  }
0xaf: {  	[dreg:$0x3] =	wrdreg s4  }
0xb0: {  	[dreg:$0x4] =	wrdreg $0xC0  }
0xb1: {  	_ =	task [dreg:s7], $0x5FFFF  }
0xb2: {  	[dreg:$0x1] =	wrdreg $0xFFFFFFFF  }
0xb3: {  	[dreg:$0x0] =	wrdreg $0x60  }
0xb4: {  	[dreg:$0x2] =	wrdreg s17  }
0xb5: {  	[dreg:$0x3] =	wrdreg $0x9  }
0xb6: {  	_ =	task.clear_ibuf [dreg:s7], $0x4FFFF;
	_ =	strace $0x90000046  }
0xb7: {  	s29 =	simm.s32 $0x9;
	_ =	strace $0x80000048  }
0xb8: {  	_ =	swait.ge [sflag:s29], $0x1  }
0xb9: {  	[sflag:s29] =	ssyncadd.s32 $0xFFFFFFFF  }
0xba: {  	_ =	strace $0x90000048  }
0xbb: {  	_ =	sfence  }
0xbc: {  	s30 =	sld [smem:$0x0];
	_ =	sdelay $0x2  }
0xbd: {  	s31 =	sshll.u32 s1, $0xD;
	s1 =	sshrl.u32 s1, $0x2  }
0xbe: {  	s3 =	sand.u32 $0x4000, s31;
	s1 =	sadd.s32 s1, s30  }
0xbf: {  	s0 =	sor.u32 s3, s0;
	s1 =	sshll.u32 s1, $0x11  }
0xc0: {  	s0 =	sor.u32 s1, s0  }
0xc1: {  	s0 =	sadd.s32 $0x8F2B, s0  }
0xc2: {  	[sflag:s0] =	ssyncadd.remote.s32 $0x1  }
0xc3: {  	_ =	sfence.sel $0xFFFF  }
0xc4: {  	[dreg:$0x0] =	wrdreg $0xFFFFFFFF;
	(pc) =	sbr.abs _section_cstart, $3  }
0xc5: {  	[dreg:$0x1] =	wrdreg $0xFFFFFFFF  }
0xc6: {  	_ =	task.clear_ibuf [dreg:s7], $0x2FFFF;
	_ =	strace $0x9FFFFFFF  }
0xc7: {  	(tm) =	ssettm $0x7FFFFFFF  }
tec
execute0_lowered:
.L_overlay_start_1:
0x0: {  	(tag) =	ssettag $0x1  }
0x1: {  	s1 =	srdreg.scid;
	s0 =	stileid.u32  }
0x2: {  	s25 =	sand.u32 $0x1, s1;
	s31 =	sshll.u32 s0, $0x1  }
0x3: {  	s3 =	sor.u32 s25, s31  }
0x4: {  	s4 =	rddreg [dreg:$0x0];
	s5 =	smul.u32 $0x10E000, s3  }
0x5: {  	s2 =	simm.s32 $0x0;
	s1 =	rddreg [dreg:$0x1];
	s3 =	smul.u32 $0x21C00, s3  }
0x6: {  	[smem:$0x7FF] =	sst s2;
	s5 =	sshrl.u32 s5, $0x3  }
0x7: {  	_ =	strace $0x80000047;
	s3 =	sadd.s32 s4, s3;
	s14 =	sadd.s32 s4, s5  }
0x8: {  	[hbm4b:s3+s2] =	stream.linear.scatter [tilespmem:s2], [sflag:$0x1], $0x16800, $0x38;
	[tilespmem:$0x16800] =	vst v63  }
0x9: {  	s4 =	sadd.s32 $0x2D00, s14  }
0xa: {  	[hbm4b:s4+s2] =	stream.linear.scatter [tilespmem:s2], [sflag:$0x2], $0x16800, $0x38;
	[tilespmem:$0x16800] =	vst v63  }
0xb: {  	s5 =	sadd.s32 $0x5A00, s14  }
0xc: {  	[hbm4b:s5+s2] =	stream.linear.scatter [tilespmem:s2], [sflag:$0x3], $0x16800, $0x38;
	[tilespmem:$0x16800] =	vst v63  }
0xd: {  	s6 =	sadd.s32 $0x8700, s14  }
0xe: {  	[hbm4b:s6+s2] =	stream.linear.scatter [tilespmem:s2], [sflag:$0x4], $0x16800, $0x38;
	[tilespmem:$0x16800] =	vst v63  }
0xf: {  	s7 =	sadd.s32 $0xB400, s14  }
0x10: {  	[hbm4b:s7+s2] =	stream.linear.scatter [tilespmem:s2], [sflag:$0x5], $0x16800, $0x38;
	[tilespmem:$0x16800] =	vst v63  }
0x11: {  	s8 =	sadd.s32 $0xE100, s14  }
0x12: {  	[hbm4b:s8+s2] =	stream.linear.scatter [tilespmem:s2], [sflag:$0x6], $0x16800, $0x38;
	[tilespmem:$0x16800] =	vst v63  }
0x13: {  	s9 =	sadd.s32 $0x10E00, s14  }
0x14: {  	[hbm4b:s9+s2] =	stream.linear.scatter [tilespmem:s2], [sflag:$0x7], $0x16800, $0x38;
	[tilespmem:$0x16800] =	vst v63  }
0x15: {  	s10 =	sadd.s32 $0x13B00, s14  }
0x16: {  	[hbm4b:s10+s2] =	stream.linear.scatter [tilespmem:s2], [sflag:$0x8], $0x16800, $0x38;
	[tilespmem:$0x16800] =	vst v63  }
0x17: {  	s11 =	sadd.s32 $0x16800, s14  }
0x18: {  	[hbm4b:s11+s2] =	stream.linear.scatter [tilespmem:s2], [sflag:$0x9], $0x16800, $0x38;
	[tilespmem:$0x16800] =	vst v63  }
0x19: {  	s12 =	sadd.s32 $0x19500, s14  }
0x1a: {  	[hbm4b:s12+s2] =	stream.linear.scatter [tilespmem:s2], [sflag:$0xA], $0x16800, $0x38;
	[tilespmem:$0x16800] =	vst v63  }
0x1b: {  	s13 =	sadd.s32 $0x1C200, s14  }
0x1c: {  	[hbm4b:s13+s2] =	stream.linear.scatter [tilespmem:s2], [sflag:$0xB], $0x16800, $0x38;
	[tilespmem:$0x16800] =	vst v63  }
0x1d: {  	s15 =	simm.s32 $0x1;
	s14 =	sadd.s32 $0x1EF00, s14  }
0x1e: {  	[hbm4b:s14+s2] =	stream.linear.scatter [tilespmem:s2], [sflag:$0xC], $0x16800, $0x38;
	[tilespmem:$0x16800] =	vst v63  }
0x1f: {  	_ =	swait.ge [sflag:s15], $0x16800  }
0x20: {  	[sflag:s15] =	ssyncset.done $0x0  }
0x21: {  	s16 =	simm.s32 $0x2;
	[sflag:s15] =	ssyncadd.s32 $0xFFFE9800  }
0x22: {  	_ =	swait.ge [sflag:s16], $0x16800  }
0x23: {  	[sflag:s16] =	ssyncset.done $0x0  }
0x24: {  	s17 =	simm.s32 $0x3;
	[sflag:s16] =	ssyncadd.s32 $0xFFFE9800  }
0x25: {  	_ =	swait.ge [sflag:s17], $0x16800  }
0x26: {  	[sflag:s17] =	ssyncset.done $0x0  }
0x27: {  	s18 =	simm.s32 $0x4;
	[sflag:s17] =	ssyncadd.s32 $0xFFFE9800  }
0x28: {  	_ =	swait.ge [sflag:s18], $0x16800  }
0x29: {  	[sflag:s18] =	ssyncset.done $0x0  }
0x2a: {  	s19 =	simm.s32 $0x5;
	[sflag:s18] =	ssyncadd.s32 $0xFFFE9800  }
0x2b: {  	_ =	swait.ge [sflag:s19], $0x16800  }
0x2c: {  	[sflag:s19] =	ssyncset.done $0x0  }
0x2d: {  	s20 =	simm.s32 $0x6;
	[sflag:s19] =	ssyncadd.s32 $0xFFFE9800  }
0x2e: {  	_ =	swait.ge [sflag:s20], $0x16800  }
0x2f: {  	[sflag:s20] =	ssyncset.done $0x0  }
0x30: {  	s21 =	simm.s32 $0x7;
	[sflag:s20] =	ssyncadd.s32 $0xFFFE9800  }
0x31: {  	_ =	swait.ge [sflag:s21], $0x16800  }
0x32: {  	[sflag:s21] =	ssyncset.done $0x0  }
0x33: {  	s22 =	simm.s32 $0x8;
	[sflag:s21] =	ssyncadd.s32 $0xFFFE9800  }
0x34: {  	_ =	swait.ge [sflag:s22], $0x16800  }
0x35: {  	[sflag:s22] =	ssyncset.done $0x0  }
0x36: {  	s23 =	simm.s32 $0x9;
	[sflag:s22] =	ssyncadd.s32 $0xFFFE9800  }
0x37: {  	_ =	swait.ge [sflag:s23], $0x16800  }
0x38: {  	s26 =	ssub.s32 $0x2, s25;
	[sflag:s23] =	ssyncset.done $0x0  }
0x39: {  	s24 =	simm.s32 $0xA;
	s28 =	sshrl.u32 s26, $0x1;
	[sflag:s23] =	ssyncadd.s32 $0xFFFE9800  }
0x3a: {  	s26 =	ssub.s32 s26, s28;
	_ =	swait.ge [sflag:s24], $0x16800  }
0x3b: {  	s28 =	smax.u32 s26, $0x1;
	[sflag:s24] =	ssyncset.done $0x0  }
0x3c: {  	s25 =	simm.s32 $0xB;
	p0 =	sne.s32 s28, $0x1;
	[sflag:s24] =	ssyncadd.s32 $0xFFFE9800  }
.Ltmp0:
0x3d: {  	_ =	swait.ge [sflag:s25], $0x16800;
	(pc) =	sbr.rel @!p0 .LBB2_2-.Ltmp0, $4  }
0x3e: {  	[sflag:s25] =	ssyncset.done $0x0  }
0x3f: {  	s26 =	simm.s32 $0xC;
	[sflag:s25] =	ssyncadd.s32 $0xFFFE9800  }
0x40: {  	_ =	swait.ge [sflag:s26], $0x16800  }
0x41: {  	s28 =	sadd.s32 $0xFFFFFFFF, s28;
	[sflag:s26] =	ssyncset.done $0x0  }
.LBB2_1:
0x42: {  	p0 =	sne.s32 s28, $0x1;
	s28 =	sadd.s32 $0xFFFFFFFF, s28;
	[sflag:s26] =	ssyncadd.s32 $0xFFFE9800  }
0x43: {  	[hbm4b:s3+s2] =	stream.linear.scatter [tilespmem:s2], [sflag:$0x1], $0x16800, $0x38;
	[tilespmem:$0x16800] =	vst v63  }
0x44: {  	_ = 	snop  }
0x45: {  	[hbm4b:s4+s2] =	stream.linear.scatter [tilespmem:s2], [sflag:$0x2], $0x16800, $0x38;
	[tilespmem:$0x16800] =	vst v63  }
0x46: {  	_ = 	snop  }
0x47: {  	[hbm4b:s5+s2] =	stream.linear.scatter [tilespmem:s2], [sflag:$0x3], $0x16800, $0x38;
	[tilespmem:$0x16800] =	vst v63  }
0x48: {  	_ = 	snop  }
0x49: {  	[hbm4b:s6+s2] =	stream.linear.scatter [tilespmem:s2], [sflag:$0x4], $0x16800, $0x38;
	[tilespmem:$0x16800] =	vst v63  }
0x4a: {  	_ = 	snop  }
0x4b: {  	[hbm4b:s7+s2] =	stream.linear.scatter [tilespmem:s2], [sflag:$0x5], $0x16800, $0x38;
	[tilespmem:$0x16800] =	vst v63  }
0x4c: {  	_ = 	snop  }
0x4d: {  	[hbm4b:s8+s2] =	stream.linear.scatter [tilespmem:s2], [sflag:$0x6], $0x16800, $0x38;
	[tilespmem:$0x16800] =	vst v63  }
0x4e: {  	_ = 	snop  }
0x4f: {  	[hbm4b:s9+s2] =	stream.linear.scatter [tilespmem:s2], [sflag:$0x7], $0x16800, $0x38;
	[tilespmem:$0x16800] =	vst v63  }
0x50: {  	_ = 	snop  }
0x51: {  	[hbm4b:s10+s2] =	stream.linear.scatter [tilespmem:s2], [sflag:$0x8], $0x16800, $0x38;
	[tilespmem:$0x16800] =	vst v63  }
0x52: {  	_ = 	snop  }
0x53: {  	[hbm4b:s11+s2] =	stream.linear.scatter [tilespmem:s2], [sflag:$0x9], $0x16800, $0x38;
	[tilespmem:$0x16800] =	vst v63  }
0x54: {  	_ = 	snop  }
0x55: {  	[hbm4b:s12+s2] =	stream.linear.scatter [tilespmem:s2], [sflag:$0xA], $0x16800, $0x38;
	[tilespmem:$0x16800] =	vst v63  }
0x56: {  	_ = 	snop  }
0x57: {  	[hbm4b:s13+s2] =	stream.linear.scatter [tilespmem:s2], [sflag:$0xB], $0x16800, $0x38;
	[tilespmem:$0x16800] =	vst v63  }
0x58: {  	_ = 	snop  }
0x59: {  	[hbm4b:s14+s2] =	stream.linear.scatter [tilespmem:s2], [sflag:$0xC], $0x16800, $0x38;
	[tilespmem:$0x16800] =	vst v63  }
0x5a: {  	_ =	swait.ge [sflag:s15], $0x16800  }
0x5b: {  	[sflag:s15] =	ssyncset.done $0x0  }
0x5c: {  	[sflag:s15] =	ssyncadd.s32 $0xFFFE9800  }
0x5d: {  	_ =	swait.ge [sflag:s16], $0x16800  }
0x5e: {  	[sflag:s16] =	ssyncset.done $0x0  }
0x5f: {  	[sflag:s16] =	ssyncadd.s32 $0xFFFE9800  }
0x60: {  	_ =	swait.ge [sflag:s17], $0x16800  }
0x61: {  	[sflag:s17] =	ssyncset.done $0x0  }
0x62: {  	[sflag:s17] =	ssyncadd.s32 $0xFFFE9800  }
0x63: {  	_ =	swait.ge [sflag:s18], $0x16800  }
0x64: {  	[sflag:s18] =	ssyncset.done $0x0  }
0x65: {  	[sflag:s18] =	ssyncadd.s32 $0xFFFE9800  }
0x66: {  	_ =	swait.ge [sflag:s19], $0x16800  }
0x67: {  	[sflag:s19] =	ssyncset.done $0x0  }
0x68: {  	[sflag:s19] =	ssyncadd.s32 $0xFFFE9800  }
0x69: {  	_ =	swait.ge [sflag:s20], $0x16800  }
0x6a: {  	[sflag:s20] =	ssyncset.done $0x0  }
0x6b: {  	[sflag:s20] =	ssyncadd.s32 $0xFFFE9800  }
0x6c: {  	_ =	swait.ge [sflag:s21], $0x16800  }
0x6d: {  	[sflag:s21] =	ssyncset.done $0x0  }
0x6e: {  	[sflag:s21] =	ssyncadd.s32 $0xFFFE9800  }
0x6f: {  	_ =	swait.ge [sflag:s22], $0x16800  }
0x70: {  	[sflag:s22] =	ssyncset.done $0x0  }
0x71: {  	[sflag:s22] =	ssyncadd.s32 $0xFFFE9800  }
0x72: {  	_ =	swait.ge [sflag:s23], $0x16800  }
0x73: {  	[sflag:s23] =	ssyncset.done $0x0  }
0x74: {  	[sflag:s23] =	ssyncadd.s32 $0xFFFE9800  }
0x75: {  	_ =	swait.ge [sflag:s24], $0x16800  }
0x76: {  	[sflag:s24] =	ssyncset.done $0x0  }
0x77: {  	[sflag:s24] =	ssyncadd.s32 $0xFFFE9800  }
.Ltmp1:
0x78: {  	_ =	swait.ge [sflag:s25], $0x16800;
	(pc) =	sbr.rel @p0 .LBB2_1-.Ltmp1, $4  }
0x79: {  	[sflag:s25] =	ssyncset.done $0x0  }
0x7a: {  	[sflag:s25] =	ssyncadd.s32 $0xFFFE9800  }
0x7b: {  	_ =	swait.ge [sflag:s26], $0x16800  }
0x7c: {  	[sflag:s26] =	ssyncset.done $0x0  }
.LBB2_2:
0x7d: {  	[sflag:s26] =	ssyncadd.s32 $0xFFFE9800  }
0x7e: {  	_ =	sfence.sel $0x180000  }
0x7f: {  	[bflag:$0x0] =	sbarrier.arrive $0xFFFF  }
0x80: {  	p0 =	sne.s32 s0, $0x0;
	_ =	strace $0x90000047  }
0x81: {  	s0 =	sadd.s32 @!p0 $0x100000, s1;
	[bflag:$0x2] =	sbarrier.arrive $0xFFFF  }
0x82: {  	[sflag:s0] =	ssyncadd.tile.s32 @!p0 $0x1;
	_ =	shalt  }
.Lfunc_end2:
_tile_overlayer_lowered:
.L_overlay_start_2:
0x83: {  	(tag) =	ssettag $0x2  }
0x84: {  	s0 =	rddreg [dreg:$0x0];
	s2 =	stileid.u32  }
0x85: {  	s1 =	rddreg [dreg:$0x1];
	p0 =	sne.s32 s2, $0x0  }
0x86: {  	s3 =	rddreg [dreg:$0x2];
	[bflag:$0x3] =	sbarrier.arrive $0xFFFF;
	s2 =	simm.s32 @!p0 $0x1C0D  }
0x87: {  	[timem:s3], [sflag:s2] =	dma.local @!p0 [hbm:s0], s1  }
0x88: {  	s0 =	simm.s32 @!p0 $0xD  }
0x89: {  	_ =	swait.ge @!p0 [sflag:s0], s1  }
0x8a: {  	s1 =	ssub.s32 @!p0 $0x0, s1;
	[sflag:s0] =	ssyncset.done @!p0 $0x0  }
0x8b: {  	[sflag:s0] =	ssyncadd.s32 @!p0 s1  }
0x8c: {  	[bflag:$0x3] =	sbarrier.arrive $0xFFFF  }
0x8d: {  	_ =	shalt  }

// kernel: sparse-core-data-format-call.cloned.1.call-start
scs
called_computation_lowered:
.L_overlay_start_0:
0x0: {  	s2 =	sld [smem:$0x3FD9]  }
0x1: {  	s3 =	sld [smem:$0x3FFE];
	_ =	sdelay $0x1  }
0x2: {  	s1 =	srdreg.scid  }
0x3: {  	s0 =	sand.u32 $0x1, s1  }
0x4: {  	s15 =	sshll.u32 s0, $0xA;
	s2 =	sadd.s32 s3, s2  }
0x5: {  	s2 =	sadd.s32 s2, s15  }
0x6: {  	[smem:$0x3FC7] =	sst s2  }
0x7: {  	_ = 	snop  }
0x8: {  	s2 =	sld [smem:$0x3FD0];
	_ =	sdelay $0x2  }
0x9: {  	s16 =	simm.s32 $0xA;
	s4 =	simm.s32 $0x10  }
0xa: {  	[smem:s4], [sflag:s16] =	dma.local [hbm:s2], $0x1  }
0xb: {  	_ =	swait.eq [sflag:s16], $0x1  }
0xc: {  	[sflag:s16] =	ssyncset.done $0x0  }
0xd: {  	[sflag:s16] =	ssyncadd.s32 $0xFFFFFFFF  }
0xe: {  	s17 =	sld [smem:$0x10];
	(tm) =	ssettm $0x1  }
0xf: {  	s18 =	sld [smem:$0x3FFB];
	_ =	sdelay $0x3  }
0x10: {  	_ =	strace s18  }
0x11: {  	s3 =	sld [smem:$0x3FFC];
	_ =	sdelay $0x3  }
0x12: {  	_ =	strace s3  }
0x13: {  	s3 =	sld [smem:$0x3FFD];
	_ =	sdelay $0x3  }
0x14: {  	_ =	strace s3  }
0x15: {  	_ =	strace $0x8FFFFFFF  }
0x16: {  	s19 =	sld [smem:$0x3FDB];
	_ =	sdelay $0x1  }
0x17: {  	s20 =	simm.s32 $_scs_section_size  }
0x18: {  	s5 =	simm.s32 $_size__tile_overlayer_lowered;
	s6 =	simm.s32 $_tile_overlayer_lowered  }
0x19: {  	s23 =	simm.s32 $0x1BFF;
	s22 =	sshll.u32 s6, $0x1;
	s3 =	sadd.s32 s20, s19  }
0x1a: {  	s7 =	simm.s32 $0x0;
	s21 =	sshll.u32 s5, $0x1;
	s5 =	sadd.s32 s22, s3  }
0x1b: {  	[timem:s7], [sflag:s23] =	dma.local [hbm:s5], s21  }
0x1c: {  	_ =	swait.ge [sflag:s23], s21  }
0x1d: {  	s4 =	ssub.s32 $0x0, s21;
	[sflag:s23] =	ssyncset.done $0x0  }
0x1e: {  	[sflag:s23] =	ssyncadd.s32 s4;
	_ =	sdelay $0x1  }
0x1f: {  	s24 =	simm.s32 $0x1B8B  }
0x20: {  	_ =	swait.ge [sflag:s24], $0x1  }
0x21: {  	[sflag:s24] =	ssyncset.done $0x0  }
0x22: {  	s26 =	simm.s32 $0x1B8E;
	s25 =	sld [smem:$0x3FFE];
	[sflag:s24] =	ssyncadd.s32 $0xFFFFFFFF  }
0x23: {  	s27 =	simm.s32 $execute0_lowered;
	[smem:$0x3FD2] =	sst s26  }
0x24: {  	s5 =	sshll.u32 s27, $0x1;
	_ =	strace $0x80000049;
	[dreg:$0x1] =	wrdreg $0xFFFFFFFF  }
0x25: {  	s28 =	simm.s32 $_size_execute0_lowered;
	s3 =	sadd.s32 s3, s5;
	[dreg:$0x0] =	wrdreg $0x0  }
0x26: {  	s5 =	sshll.u32 s28, $0x1;
	[dreg:$0x2] =	wrdreg s3  }
0x27: {  	[dreg:$0x3] =	wrdreg s5  }
0x28: {  	[dreg:$0x4] =	wrdreg $0xC0  }
0x29: {  	_ =	task [dreg:s7], $0x5FFFF  }
0x2a: {  	[dreg:$0x1] =	wrdreg $0xFFFFFFFF  }
0x2b: {  	[dreg:$0x0] =	wrdreg $0x60  }
0x2c: {  	[dreg:$0x2] =	wrdreg s25  }
0x2d: {  	[dreg:$0x3] =	wrdreg s17  }
0x2e: {  	[dreg:$0x4] =	wrdreg $0x9  }
0x2f: {  	_ =	task.clear_ibuf [dreg:s7], $0x5FFFF;
	_ =	strace $0x90000049  }
0x30: {  	s29 =	simm.s32 $0x9;
	_ =	strace $0x8000004B  }
0x31: {  	_ =	swait.ge [sflag:s29], $0x1  }
0x32: {  	[sflag:s29] =	ssyncadd.s32 $0xFFFFFFFF  }
0x33: {  	_ =	strace $0x9000004B  }
0x34: {  	_ =	sfence  }
0x35: {  	s30 =	sld [smem:$0x0];
	_ =	sdelay $0x2  }
0x36: {  	s31 =	sshll.u32 s1, $0xD;
	s1 =	sshrl.u32 s1, $0x2  }
0x37: {  	s3 =	sand.u32 $0x4000, s31;
	s1 =	sadd.s32 s1, s30  }
0x38: {  	s0 =	sor.u32 s3, s0;
	s1 =	sshll.u32 s1, $0x11  }
0x39: {  	s0 =	sor.u32 s1, s0  }
0x3a: {  	s0 =	sadd.s32 $0x8F2B, s0  }
0x3b: {  	[sflag:s0] =	ssyncadd.remote.s32 $0x1  }
0x3c: {  	_ =	sfence.sel $0xFFFF  }
0x3d: {  	[dreg:$0x0] =	wrdreg $0xFFFFFFFF;
	(pc) =	sbr.abs _section_cstart, $3  }
0x3e: {  	[dreg:$0x1] =	wrdreg $0xFFFFFFFF  }
0x3f: {  	_ =	task.clear_ibuf [dreg:s7], $0x2FFFF;
	_ =	strace $0x9FFFFFFF  }
0x40: {  	(tm) =	ssettm $0x7FFFFFFF  }
0x41: {  	_ =	shalt  }
tec
execute0_lowered:
.L_overlay_start_1:
0x0: {  	(tag) =	ssettag $0x1  }
0x1: {  	s6 =	rddreg [dreg:$0x0]  }
0x2: {  	s0 =	srdreg.scid;
	s3 =	rddreg [dreg:$0x1]  }
0x3: {  	s7 =	simm.s32 $0x2;
	s12 =	simm.s32 $0x0;
	s1 =	sshll.u32 s0, $0x4  }
0x4: {  	p0 =	por $0x0, $0x0;
	s0 =	stileid.u32;
	s1 =	sand.u32 $0x10, s1  }
0x5: {  	s14 =	simm.s32 $0x0;
	s13 =	simm.s32 $0x0;
	s2 =	sor.u32 s0, s1  }
.Ltmp0:
0x6: {  	s8 =	simm.s32 $0x0;
	s4 =	ssub.s32 $0x2EF, s2;
	(pc) =	sbr.rel .LBB1_1-.Ltmp0, $4  }
0x7: {  	s10 =	simm.s32 $0x0;
	s1 =	rddreg [dreg:$0x2];
	s5 =	sshrl.u32 s4, $0x5  }
0x8: {  	_ =	strace $0x8000004A;
	s4 =	simm.s32 $0x1;
	s5 =	smul.u32 $0x6, s5  }
0x9: {  	s11 =	simm.s32 $0x0;
	s6 =	sadd.s32 $0xA00, s6;
	[sflag:s4] =	ssyncpa.u1 $0x0  }
0xa: {  	s9 =	smov.u32 s2;
	[sflag:s7] =	ssyncpa.u1 $0x0;
	s7 =	sor.u32 $0x1, s5  }
.LBB1_4:
0xb: {  	s17 =	sand.u32 $0x380, s13;
	s14 =	smul.u32 $0x1800, s14  }
0xc: {  	s18 =	sshrl.u32 s13, $0x3;
	s17 =	sadd.s32 s3, s17  }
0xd: {  	[tilespmem:s16+$0x810 ss:$0x81] =	vst.msk $0xffff, v2;
	s18 =	sand.u32 $0xF, s18;
	s14 =	sadd.s32 s14, s17  }
0xe: {  	[tilespmem:s16+$0x1020 ss:$0x81] =	vst.msk $0xffff, v0;
	s12 =	sshll.u32 s12, $0xA;
	s14 =	sadd.s32 s18, s14  }
0xf: {  	[tilespmem:s16+$0x0 ss:$0x81] =	vst.msk $0xffff, v1;
	s31 =	sand.u32 $0x7, s13;
	s12 =	sadd.s32 s12, s14  }
0x10: {  	[hbm4b:s12+s31] =	stream.linear.scatter [tilespmem:s15], [sflag:$0x2], $0x2000, $0x20;
	[tilespmem:$0x8080] =	vst v63  }
.LBB1_5:
0x11: {  	s15 =	sadd.s32 $0x1, s8  }
0x12: {  	s12 =	sadd.s32 $0x20, s9;
	s16 =	smov.u32 s9;
	p2 =	sgt.s32 s15, $0x5  }
0x13: {  	s16 =	smov.u32 @p2 s12  }
0x14: {  	s18 =	smov.u32 s10;
	s12 =	sadd.s32 $0x80, s10;
	p3 =	sgt.s32 s16, $0x2CF  }
0x15: {  	s18 =	smov.u32 @p3 s12  }
0x16: {  	s15 =	simm.s32 @p2 $0x0;
	p2 =	sgt.s32 s18, $0x7F  }
0x17: {  	p1 =	slt.u32 s11, $0x2;
	s18 =	simm.s32 @p2 $0x0;
	p2 =	sne.s32 s11, s7  }
.Ltmp1:
0x18: {  	s17 =	simm.s32 @!p1 $0x2;
	(pc) =	sbr.rel @!p2 .LBB1_6-.Ltmp1, $4  }
0x19: {  	s14 =	smov.u32 s9;
	s13 =	smov.u32 s10;
	_ =	swait.ge @!p1 [sflag:s17], $0x2000  }
0x1a: {  	p0 =	por !p0, !p0;
	[sflag:s17] =	ssyncset.done @!p1 $0x0;
	s16 =	smov.u32 @p3 s2  }
0x1b: {  	s12 =	smov.u32 s8;
	[sflag:s17] =	ssyncadd.s32 @!p1 $0xFFFFE000;
	s8 =	smov.u32 s15  }
0x1c: {  	s9 =	smov.u32 s16;
	s11 =	sadd.s32 $0x1, s11;
	s10 =	smov.u32 s18  }
.LBB1_1:
0x1d: {  	p1 =	sge.u32 s11, s5  }
0x1e: {  	s16 =	smul.u32 @!p1 $0x16800, s10  }
0x1f: {  	s31 =	sadd.s32 $0xFFFFFFFF, s11;
	s15 =	sxor.u32 @!p1 $0xFFFFFFFF, s11;
	s17 =	sshll.u32 @!p1 s9, $0x7  }
0x20: {  	s18 =	sshll.u32 @!p1 s8, $0x4;
	s15 =	sshll.u32 @!p1 s15, $0xD;
	s16 =	sadd.s32 @!p1 s6, s16  }
0x21: {  	s18 =	sand.u32 @!p1 $0x70, s18;
	s15 =	sand.u32 @!p1 $0x2000, s15;
	s16 =	sadd.s32 @!p1 s17, s16  }
0x22: {  	s17 =	simm.s32 @!p1 $0x40;
	s16 =	sadd.s32 @!p1 s18, s16;
	s18 =	simm.s32 @!p1 $0xB4000  }
0x23: {  	[tilespmem:s15], [sflag:$0x1] =	stream.strided.gather @!p1 [hbm4b:s16+s17], $0x2000, s18, s17, $0x38;
	[tilespmem:$0x8080] =	vst v63  }
0x24: {  	p1 =	sge.u32 s31, s5  }
.Ltmp2:
0x25: {  	_ = 	snop;
	(pc) =	sbr.rel @p1 .LBB1_5-.Ltmp2, $1  }
0x26: {  	_ =	sdelay $0x3  }
0x27: {  	s15 =	simm.s32 $0x1  }
0x28: {  	_ =	swait.ge [sflag:s4], $0x2000;
	s15 =	simm.s32 @!p0 $0x0  }
0x29: {  	[sflag:s4] =	ssyncset.done $0x0;
	s16 =	sshll.u32 s15, $0xD  }
0x2a: {  	[sflag:s4] =	ssyncadd.s32 $0xFFFFE000;
	s19 =	sor.u32 $0x20, s16  }
0x2b: {  	s15 =	smul.u32 $0x8100, s15;
	v3 =	vld [tilespmem:s19+$0x10]  }
0x2c: {  	s30 =	sand.u32 $0x1, s11;
	v2 =	vld [tilespmem:s19+$0xFFFFFFF0]  }
0x2d: {  	s16 =	smul.u32 $0x8100, s30;
	s15 =	sshrl.u32 s15, $0x2;
	v0 =	vld [tilespmem:s19+$0x0]  }
0x2e: {  	v1 =	vld [tilespmem:s19+$0xFFFFFFE0];
	s17 =	sor.u32 $0x4000, s15  }
0x2f: {  	s31 =	sshrl.u32 s16, $0x2;
	s16 =	sadd.s32 $0x0, s17  }
0x30: {  	s18 =	simm.s32 $0x4;
	s19 =	sadd.s32 $0x40, s19;
	s15 =	sor.u32 $0x4000, s31;
	[tilespmem:s16+$0x1830 ss:$0x81] =	vst.msk $0xffff, v3  }
.LBB1_3:
0x31: {  	v3 =	vld [tilespmem:s19+$0x10];
	p1 =	sne.s32 s18, $0x1FC;
	[tilespmem:s16+$0x810 ss:$0x81] =	vst.msk $0xffff, v2;
	s20 =	smov.u32 s18;
	s18 =	sadd.s32 $0x4, s18  }
.Ltmp3:
0x32: {  	v2 =	vld [tilespmem:s19+$0xFFFFFFF0];
	[tilespmem:s16+$0x1020 ss:$0x81] =	vst.msk $0xffff, v0;
	(pc) =	sbr.rel @p1 .LBB1_3-.Ltmp3, $4  }
0x33: {  	v0 =	vld [tilespmem:s19+$0x0];
	[tilespmem:s16+$0x0 ss:$0x81] =	vst.msk $0xffff, v1  }
0x34: {  	s16 =	sshra.s32 s20, $0x2;
	v1 =	vld [tilespmem:s19+$0xFFFFFFE0]  }
0x35: {  	s16 =	sadd.s32 s16, s17  }
0x36: {  	s19 =	sadd.s32 $0x40, s19;
	[tilespmem:s16+$0x1830 ss:$0x81] =	vst.msk $0xffff, v3  }
.Ltmp4:
0x37: {  	_ = 	snop;
	(pc) =	sbr.rel .LBB1_4-.Ltmp4, $1  }
0x38: {  	_ =	sdelay $0x3  }
.LBB1_6:
0x39: {  	_ =	sfence.sel $0x180000  }
0x3a: {  	s2 =	simm.s32 $0x1;
	[bflag:$0x0] =	sbarrier.arrive $0xFFFF  }
0x3b: {  	s31 =	simm.s32 $0x2;
	[sflag:s2] =	ssyncpa.u1 $0x1  }
0x3c: {  	[sflag:s31] =	ssyncpa.u1 $0x1  }
0x3d: {  	p0 =	sne.s32 s0, $0x0;
	_ =	strace $0x9000004A  }
0x3e: {  	s0 =	sadd.s32 @!p0 $0x100000, s1;
	[bflag:$0x2] =	sbarrier.arrive $0xFFFF  }
0x3f: {  	[sflag:s0] =	ssyncadd.tile.s32 @!p0 $0x1;
	_ =	shalt  }
.Lfunc_end1:
_tile_overlayer_lowered:
.L_overlay_start_2:
0x40: {  	(tag) =	ssettag $0x2  }
0x41: {  	s0 =	rddreg [dreg:$0x0];
	s2 =	stileid.u32  }
0x42: {  	s1 =	rddreg [dreg:$0x1];
	p0 =	sne.s32 s2, $0x0  }
0x43: {  	s3 =	rddreg [dreg:$0x2];
	[bflag:$0x3] =	sbarrier.arrive $0xFFFF;
	s2 =	simm.s32 @!p0 $0x1C01  }
0x44: {  	[timem:s3], [sflag:s2] =	dma.local @!p0 [hbm:s0], s1  }
0x45: {  	s0 =	simm.s32 @!p0 $0x1  }
0x46: {  	_ =	swait.ge @!p0 [sflag:s0], s1  }
0x47: {  	s1 =	ssub.s32 @!p0 $0x0, s1;
	[sflag:s0] =	ssyncset.done @!p0 $0x0  }
0x48: {  	[sflag:s0] =	ssyncadd.s32 @!p0 s1  }
0x49: {  	[bflag:$0x3] =	sbarrier.arrive $0xFFFF  }
0x4a: {  	_ =	shalt  }

</sc_bundles>
